<compile_context>
chip_gen: v7x
topology: tpu7x:2x2x1
jax: 0.10.2.dev20260603
libtpu: 0.0.44.dev20260713+nightly
codegen_flags: <defaults>
</compile_context>

<pallas_src>
import functools

import jax
import jax.numpy as jnp
from jax import lax
from jax.experimental import pallas as pl
from jax.experimental.pallas import tpu as pltpu
from jax.experimental.pallas import tpu_sc as plsc

_INFO = plsc.get_sparse_core_info()
_NS, _L = _INFO.num_subcores, _INFO.num_lanes
_NC = 1
_NW = _NC * _NS


def _make_gather(num_rows, C, W, HW, A):
    assert num_rows % _NW == 0
    bpw = num_rows // _NW
    nch = bpw // _L
    assert bpw % _L == 0 and bpw % 8 == 0 and A % _L == 0

    mesh = plsc.VectorSubcoreMesh(core_axis_name="c", subcore_axis_name="s",
                                  num_cores=_NC)

    @functools.partial(
        pl.kernel,
        mesh=mesh,
        out_type=jax.ShapeDtypeStruct((num_rows, C), jnp.float32),
        scratch_types=[
            pltpu.VMEM((bpw,), jnp.int32),
            pltpu.VMEM((bpw,), jnp.int32),
            pltpu.VMEM((bpw, C), jnp.float32),
            pltpu.SemaphoreType.DMA,
            [pltpu.SemaphoreType.DMA] * nch,
            pltpu.SemaphoreType.DMA,
        ],
    )
    def gather_kernel(table_hbm, rows_hbm, cols_hbm, out_hbm,
                      rows_v, cols_v, feat_v, sem_p, sems_g, sem_o):
        wid = lax.axis_index("s") * _NC + lax.axis_index("c")
        base = wid * bpw
        cp_r = pltpu.async_copy(rows_hbm.at[pl.ds(base, bpw)], rows_v, sem_p)
        cp_c = pltpu.async_copy(cols_hbm.at[pl.ds(base, bpw)], cols_v, sem_p)
        cp_r.wait()
        cp_c.wait()
        gathers = []
        for j in range(nch):
            tbase = ((base + j * _L) // A) * HW
            r = rows_v[pl.ds(j * _L, _L)]
            c = cols_v[pl.ds(j * _L, _L)]
            idx = tbase + r * W + c
            gathers.append(pltpu.async_copy(
                table_hbm.at[idx], feat_v.at[pl.ds(j * _L, _L)], sems_g[j]))
        outs = []
        for k in range(nch // 2):
            gathers[2 * k].wait()
            gathers[2 * k + 1].wait()
            outs.append(pltpu.async_copy(
                feat_v.at[pl.ds(2 * k * _L, 2 * _L)],
                out_hbm.at[pl.ds(base + 2 * k * _L, 2 * _L)], sem_o))
        for o in outs:
            o.wait()

    return gather_kernel


def kernel(feature_map, agent_positions, mask):
    B, T, H, W, C = feature_map.shape
    A = agent_positions.shape[2]
    num_rows = B * T * A
    table = feature_map.reshape(B * T * H * W, C)
    pos = agent_positions.reshape(num_rows, 2)
    rows = pos[:, 0].astype(jnp.int32)
    cols = pos[:, 1].astype(jnp.int32)
    fn = _make_gather(num_rows, C, W, H * W, A)
    out = fn(table, rows, cols)
    return out.reshape(B, T, A, C)

# --- scband reference (transcript-rebuilt; emitter-appended) ---
"""Pipeline reference for scband-spatial-feature-extractor-11132555231292 (READ-ONLY COPY).

The authoritative reference and input builder live on the scoring server;
editing this copy changes nothing except your own understanding.
"""

import jax, jax.numpy as jnp
import numpy as np


def setup_inputs(seed: int = 0) -> dict:
    key = jax.random.key(seed)
    k1, k2 = jax.random.split(key)
    B, T, H, W, C = 4, 8, 128, 128, 128
    num_agents = 64
    feature_map = jax.random.normal(k1, (B, T, H, W, C), dtype=jnp.float32)
    agent_positions = jax.random.randint(k2, (B, T, num_agents, 2), 0, H).astype(jnp.int32)
    mask = jnp.ones((B, T, num_agents), dtype=bool)
    return {"feature_map": feature_map, "agent_positions": agent_positions, "mask": mask}


def reference(feature_map, agent_positions, mask):
    # feature_map: [B, T, H, W, C]; agent_positions: [B, T, A, 2]; mask: [B, T, A]
    def extract_features_for_timestep(fmap, positions, mask_t):
        def extract_feature(pos, valid):
            row, col = pos[0], pos[1]
            feat = fmap[row, col, :]
            return feat
        return jax.vmap(extract_feature)(positions, mask_t)

    extract_over_time = jax.vmap(extract_features_for_timestep, in_axes=(0, 0, 0))
    agent_features = jax.vmap(extract_over_time, in_axes=(0, 0, 0))(feature_map, agent_positions, mask)
    return agent_features

if __name__ == "__main__":
    import jax
    _d = setup_inputs()
    print(jax.jit(kernel)(*tuple(_d.values())))

</pallas_src>

<mosaic_0001>
#map = affine_map<(d0, d1) -> (0, 0)>
#map1 = affine_map<(d0, d1) -> (0)>
module attributes {stable_mosaic.version = 14 : i64} {
  func.func @gather_kernel(%arg0: i32, %arg1: i32, %arg2: memref<524288x128xf32, #tpu.memory_space<hbm>>, %arg3: memref<2048xi32, #tpu.memory_space<hbm>>, %arg4: memref<2048xi32, #tpu.memory_space<hbm>>, %arg5: memref<2048x128xf32, #tpu.memory_space<hbm>>, %arg6: memref<128xi32, #tpu.memory_space<vmem>>, %arg7: memref<128xi32, #tpu.memory_space<vmem>>, %arg8: memref<128x128xf32, #tpu.memory_space<vmem>>, %arg9: memref<!tpu.dma_semaphore, #tpu.memory_space<semaphore_mem>>, %arg10: memref<!tpu.dma_semaphore, #tpu.memory_space<semaphore_mem>>, %arg11: memref<!tpu.dma_semaphore, #tpu.memory_space<semaphore_mem>>, %arg12: memref<!tpu.dma_semaphore, #tpu.memory_space<semaphore_mem>>, %arg13: memref<!tpu.dma_semaphore, #tpu.memory_space<semaphore_mem>>, %arg14: memref<!tpu.dma_semaphore, #tpu.memory_space<semaphore_mem>>, %arg15: memref<!tpu.dma_semaphore, #tpu.memory_space<semaphore_mem>>, %arg16: memref<!tpu.dma_semaphore, #tpu.memory_space<semaphore_mem>>, %arg17: memref<!tpu.dma_semaphore, #tpu.memory_space<semaphore_mem>>, %arg18: memref<!tpu.dma_semaphore, #tpu.memory_space<semaphore_mem>>) attributes {dimension_semantics = [#tpu.dimension_semantics<core_parallel>, #tpu.dimension_semantics<subcore_parallel>], iteration_bounds = array<i64: 1, 16>, scalar_prefetch = 0 : i64, scratch_operands = 13 : i64, tpu.core_type = #tpu.core_type<sc_vector_subcore>, window_params = [{transform_indices = #map}, {transform_indices = #map1}, {transform_indices = #map1}, {transform_indices = #map}]} {
    %mul3A = arith.constant 1 : i32
    %mul3A_0 = arith.muli %arg1, %mul3A : i32
    %add3A = arith.addi %mul3A_0, %arg0 : i32
    %mul3A_1 = arith.constant 128 : i32
    %mul3A_2 = arith.muli %add3A, %mul3A_1 : i32
    %dma_start3A = tpu.memref_slice %arg3[%mul3A_2] : memref<2048xi32, #tpu.memory_space<hbm>> -> memref<128xi32, #tpu.memory_space<hbm>>
    %dma_start3A_3 = tpu.memref_slice %arg3[%mul3A_2] : memref<2048xi32, #tpu.memory_space<hbm>> -> memref<128xi32, #tpu.memory_space<hbm>>
    tpu.enqueue_dma source(%dma_start3A_3 : memref<128xi32, #tpu.memory_space<hbm>>) target(%arg6 : memref<128xi32, #tpu.memory_space<vmem>>) target_semaphore(%arg9 : memref<!tpu.dma_semaphore, #tpu.memory_space<semaphore_mem>>)
    %dma_start3A_4 = tpu.memref_slice %arg4[%mul3A_2] : memref<2048xi32, #tpu.memory_space<hbm>> -> memref<128xi32, #tpu.memory_space<hbm>>
    %dma_start3A_5 = tpu.memref_slice %arg4[%mul3A_2] : memref<2048xi32, #tpu.memory_space<hbm>> -> memref<128xi32, #tpu.memory_space<hbm>>
    tpu.enqueue_dma source(%dma_start3A_5 : memref<128xi32, #tpu.memory_space<hbm>>) target(%arg7 : memref<128xi32, #tpu.memory_space<vmem>>) target_semaphore(%arg9 : memref<!tpu.dma_semaphore, #tpu.memory_space<semaphore_mem>>)
    %dma_wait3A = tpu.memref_slice %arg3[%mul3A_2] : memref<2048xi32, #tpu.memory_space<hbm>> -> memref<128xi32, #tpu.memory_space<hbm>>
    %dma_wait3A_6 = tpu.memref_slice %arg3[%mul3A_2] : memref<2048xi32, #tpu.memory_space<hbm>> -> memref<128xi32, #tpu.memory_space<hbm>>
    tpu.wait_dma2 semaphore(%arg9 : memref<!tpu.dma_semaphore, #tpu.memory_space<semaphore_mem>>) src(%dma_wait3A_6 : memref<128xi32, #tpu.memory_space<hbm>>) dst(%arg6 : memref<128xi32, #tpu.memory_space<vmem>>)
    %dma_wait3A_7 = tpu.memref_slice %arg4[%mul3A_2] : memref<2048xi32, #tpu.memory_space<hbm>> -> memref<128xi32, #tpu.memory_space<hbm>>
    %dma_wait3A_8 = tpu.memref_slice %arg4[%mul3A_2] : memref<2048xi32, #tpu.memory_space<hbm>> -> memref<128xi32, #tpu.memory_space<hbm>>
    tpu.wait_dma2 semaphore(%arg9 : memref<!tpu.dma_semaphore, #tpu.memory_space<semaphore_mem>>) src(%dma_wait3A_8 : memref<128xi32, #tpu.memory_space<hbm>>) dst(%arg7 : memref<128xi32, #tpu.memory_space<vmem>>)
    %add3A_9 = arith.constant 0 : i32
    %add3A_10 = arith.addi %mul3A_2, %add3A_9 : i32
    %jit3A = arith.constant 64 : i32
    %div3A = arith.divsi %add3A_10, %jit3A : i32
    %sign3A = arith.constant 0 : i32
    %sign3A_11 = arith.cmpi sgt, %add3A_10, %sign3A : i32
    %sign3A_12 = arith.extui %sign3A_11 : i1 to i32
    %sign3A_13 = arith.constant 0 : i32
    %sign3A_14 = arith.cmpi slt, %add3A_10, %sign3A_13 : i32
    %sign3A_15 = arith.extui %sign3A_14 : i1 to i32
    %sign3A_16 = arith.subi %sign3A_12, %sign3A_15 : i32
    %sign3A_17 = arith.constant 0 : i32
    %sign3A_18 = arith.cmpi sgt, %jit3A, %sign3A_17 : i32
    %sign3A_19 = arith.extui %sign3A_18 : i1 to i32
    %sign3A_20 = arith.constant 0 : i32
    %sign3A_21 = arith.cmpi slt, %jit3A, %sign3A_20 : i32
    %sign3A_22 = arith.extui %sign3A_21 : i1 to i32
    %sign3A_23 = arith.subi %sign3A_19, %sign3A_22 : i32
    %ne3A = arith.cmpi ne, %sign3A_16, %sign3A_23 : i32
    %rem3A = arith.remsi %add3A_10, %jit3A : i32
    %ne3A_24 = arith.constant 0 : i32
    %ne3A_25 = arith.cmpi ne, %rem3A, %ne3A_24 : i32
    %and3A = arith.andi %ne3A, %ne3A_25 : i1
    %sub3A = arith.constant 1 : i32
    %sub3A_26 = arith.subi %div3A, %sub3A : i32
    %select_n3A = arith.select %and3A, %sub3A_26, %div3A : i32
    %mul3A_27 = arith.constant 16384 : i32
    %mul3A_28 = arith.muli %select_n3A, %mul3A_27 : i32
    %get3A = arith.constant 0 : index
    %get3A_29 = tpu.vector_load %arg6[%get3A] {strides = array<i32>} : memref<128xi32, #tpu.memory_space<vmem>>, vector<16xi32>,
    %get3A_30 = vector.shape_cast %get3A_29 : vector<16xi32> to vector<16xi32>
    %get3A_31 = arith.constant 0 : index
    %get3A_32 = tpu.vector_load %arg7[%get3A_31] {strides = array<i32>} : memref<128xi32, #tpu.memory_space<vmem>>, vector<16xi32>,
    %get3A_33 = vector.shape_cast %get3A_32 : vector<16xi32> to vector<16xi32>
    %mul3A_34 = arith.constant 128 : i32
    %mul3A_35 = vector.broadcast %mul3A_34 : i32 to vector<16xi32>
    %mul3A_36 = arith.muli %get3A_30, %mul3A_35 : vector<16xi32>
    %add3A_37 = vector.broadcast %mul3A_28 : i32 to vector<16xi32>
    %add3A_38 = arith.addi %add3A_37, %mul3A_36 : vector<16xi32>
    %add3A_39 = arith.addi %add3A_38, %get3A_33 : vector<16xi32>
    %dma_start3A_40 = arith.constant 0 : i32
    %dma_start3A_41 = arith.constant 0 : i32
    %dma_start3A_42 = tpu.memref_slice %arg8[%dma_start3A_40, %dma_start3A_41] : memref<128x128xf32, #tpu.memory_space<vmem>> -> memref<16x128xf32, #tpu.memory_space<vmem>>
    %dma_start3A_43 = arith.constant 0 : i32
    %dma_start3A_44 = arith.constant 0 : i32
    %dma_start3A_45 = tpu.memref_slice %arg2[%dma_start3A_43, %dma_start3A_44] : memref<524288x128xf32, #tpu.memory_space<hbm>> -> memref<524288x128xf32, #tpu.memory_space<hbm>>
    tpu.enqueue_indirect_dma source(%dma_start3A_45 : memref<524288x128xf32, #tpu.memory_space<hbm>>) target(%dma_start3A_42 : memref<16x128xf32, #tpu.memory_space<vmem>>) offsets(%add3A_39 : vector<16xi32>) semaphore(%arg10 : memref<!tpu.dma_semaphore, #tpu.memory_space<semaphore_mem>>)
    %add3A_46 = arith.constant 16 : i32
    %add3A_47 = arith.addi %mul3A_2, %add3A_46 : i32
    %jit3A_48 = arith.constant 64 : i32
    %div3A_49 = arith.divsi %add3A_47, %jit3A_48 : i32
    %sign3A_50 = arith.constant 0 : i32
    %sign3A_51 = arith.cmpi sgt, %add3A_47, %sign3A_50 : i32
    %sign3A_52 = arith.extui %sign3A_51 : i1 to i32
    %sign3A_53 = arith.constant 0 : i32
    %sign3A_54 = arith.cmpi slt, %add3A_47, %sign3A_53 : i32
    %sign3A_55 = arith.extui %sign3A_54 : i1 to i32
    %sign3A_56 = arith.subi %sign3A_52, %sign3A_55 : i32
    %sign3A_57 = arith.constant 0 : i32
    %sign3A_58 = arith.cmpi sgt, %jit3A_48, %sign3A_57 : i32
    %sign3A_59 = arith.extui %sign3A_58 : i1 to i32
    %sign3A_60 = arith.constant 0 : i32
    %sign3A_61 = arith.cmpi slt, %jit3A_48, %sign3A_60 : i32
    %sign3A_62 = arith.extui %sign3A_61 : i1 to i32
    %sign3A_63 = arith.subi %sign3A_59, %sign3A_62 : i32
    %ne3A_64 = arith.cmpi ne, %sign3A_56, %sign3A_63 : i32
    %rem3A_65 = arith.remsi %add3A_47, %jit3A_48 : i32
    %ne3A_66 = arith.constant 0 : i32
    %ne3A_67 = arith.cmpi ne, %rem3A_65, %ne3A_66 : i32
    %and3A_68 = arith.andi %ne3A_64, %ne3A_67 : i1
    %sub3A_69 = arith.constant 1 : i32
    %sub3A_70 = arith.subi %div3A_49, %sub3A_69 : i32
    %select_n3A_71 = arith.select %and3A_68, %sub3A_70, %div3A_49 : i32
    %mul3A_72 = arith.constant 16384 : i32
    %mul3A_73 = arith.muli %select_n3A_71, %mul3A_72 : i32
    %get3A_74 = arith.constant 16 : index
    %get3A_75 = tpu.vector_load %arg6[%get3A_74] {strides = array<i32>} : memref<128xi32, #tpu.memory_space<vmem>>, vector<16xi32>,
    %get3A_76 = vector.shape_cast %get3A_75 : vector<16xi32> to vector<16xi32>
    %get3A_77 = arith.constant 16 : index
    %get3A_78 = tpu.vector_load %arg7[%get3A_77] {strides = array<i32>} : memref<128xi32, #tpu.memory_space<vmem>>, vector<16xi32>,
    %get3A_79 = vector.shape_cast %get3A_78 : vector<16xi32> to vector<16xi32>
    %mul3A_80 = arith.constant 128 : i32
    %mul3A_81 = vector.broadcast %mul3A_80 : i32 to vector<16xi32>
    %mul3A_82 = arith.muli %get3A_76, %mul3A_81 : vector<16xi32>
    %add3A_83 = vector.broadcast %mul3A_73 : i32 to vector<16xi32>
    %add3A_84 = arith.addi %add3A_83, %mul3A_82 : vector<16xi32>
    %add3A_85 = arith.addi %add3A_84, %get3A_79 : vector<16xi32>
    %dma_start3A_86 = arith.constant 16 : i32
    %dma_start3A_87 = arith.constant 0 : i32
    %dma_start3A_88 = tpu.memref_slice %arg8[%dma_start3A_86, %dma_start3A_87] : memref<128x128xf32, #tpu.memory_space<vmem>> -> memref<16x128xf32, #tpu.memory_space<vmem>>
    %dma_start3A_89 = arith.constant 0 : i32
    %dma_start3A_90 = arith.constant 0 : i32
    %dma_start3A_91 = tpu.memref_slice %arg2[%dma_start3A_89, %dma_start3A_90] : memref<524288x128xf32, #tpu.memory_space<hbm>> -> memref<524288x128xf32, #tpu.memory_space<hbm>>
    tpu.enqueue_indirect_dma source(%dma_start3A_91 : memref<524288x128xf32, #tpu.memory_space<hbm>>) target(%dma_start3A_88 : memref<16x128xf32, #tpu.memory_space<vmem>>) offsets(%add3A_85 : vector<16xi32>) semaphore(%arg11 : memref<!tpu.dma_semaphore, #tpu.memory_space<semaphore_mem>>)
    %add3A_92 = arith.constant 32 : i32
    %add3A_93 = arith.addi %mul3A_2, %add3A_92 : i32
    %jit3A_94 = arith.constant 64 : i32
    %div3A_95 = arith.divsi %add3A_93, %jit3A_94 : i32
    %sign3A_96 = arith.constant 0 : i32
    %sign3A_97 = arith.cmpi sgt, %add3A_93, %sign3A_96 : i32
    %sign3A_98 = arith.extui %sign3A_97 : i1 to i32
    %sign3A_99 = arith.constant 0 : i32
    %sign3A_100 = arith.cmpi slt, %add3A_93, %sign3A_99 : i32
    %sign3A_101 = arith.extui %sign3A_100 : i1 to i32
    %sign3A_102 = arith.subi %sign3A_98, %sign3A_101 : i32
    %sign3A_103 = arith.constant 0 : i32
    %sign3A_104 = arith.cmpi sgt, %jit3A_94, %sign3A_103 : i32
    %sign3A_105 = arith.extui %sign3A_104 : i1 to i32
    %sign3A_106 = arith.constant 0 : i32
    %sign3A_107 = arith.cmpi slt, %jit3A_94, %sign3A_106 : i32
    %sign3A_108 = arith.extui %sign3A_107 : i1 to i32
    %sign3A_109 = arith.subi %sign3A_105, %sign3A_108 : i32
    %ne3A_110 = arith.cmpi ne, %sign3A_102, %sign3A_109 : i32
    %rem3A_111 = arith.remsi %add3A_93, %jit3A_94 : i32
    %ne3A_112 = arith.constant 0 : i32
    %ne3A_113 = arith.cmpi ne, %rem3A_111, %ne3A_112 : i32
    %and3A_114 = arith.andi %ne3A_110, %ne3A_113 : i1
    %sub3A_115 = arith.constant 1 : i32
    %sub3A_116 = arith.subi %div3A_95, %sub3A_115 : i32
    %select_n3A_117 = arith.select %and3A_114, %sub3A_116, %div3A_95 : i32
    %mul3A_118 = arith.constant 16384 : i32
    %mul3A_119 = arith.muli %select_n3A_117, %mul3A_118 : i32
    %get3A_120 = arith.constant 32 : index
    %get3A_121 = tpu.vector_load %arg6[%get3A_120] {strides = array<i32>} : memref<128xi32, #tpu.memory_space<vmem>>, vector<16xi32>,
    %get3A_122 = vector.shape_cast %get3A_121 : vector<16xi32> to vector<16xi32>
    %get3A_123 = arith.constant 32 : index
    %get3A_124 = tpu.vector_load %arg7[%get3A_123] {strides = array<i32>} : memref<128xi32, #tpu.memory_space<vmem>>, vector<16xi32>,
    %get3A_125 = vector.shape_cast %get3A_124 : vector<16xi32> to vector<16xi32>
    %mul3A_126 = arith.constant 128 : i32
    %mul3A_127 = vector.broadcast %mul3A_126 : i32 to vector<16xi32>
    %mul3A_128 = arith.muli %get3A_122, %mul3A_127 : vector<16xi32>
    %add3A_129 = vector.broadcast %mul3A_119 : i32 to vector<16xi32>
    %add3A_130 = arith.addi %add3A_129, %mul3A_128 : vector<16xi32>
    %add3A_131 = arith.addi %add3A_130, %get3A_125 : vector<16xi32>
    %dma_start3A_132 = arith.constant 32 : i32
    %dma_start3A_133 = arith.constant 0 : i32
    %dma_start3A_134 = tpu.memref_slice %arg8[%dma_start3A_132, %dma_start3A_133] : memref<128x128xf32, #tpu.memory_space<vmem>> -> memref<16x128xf32, #tpu.memory_space<vmem>>
    %dma_start3A_135 = arith.constant 0 : i32
    %dma_start3A_136 = arith.constant 0 : i32
    %dma_start3A_137 = tpu.memref_slice %arg2[%dma_start3A_135, %dma_start3A_136] : memref<524288x128xf32, #tpu.memory_space<hbm>> -> memref<524288x128xf32, #tpu.memory_space<hbm>>
    tpu.enqueue_indirect_dma source(%dma_start3A_137 : memref<524288x128xf32, #tpu.memory_space<hbm>>) target(%dma_start3A_134 : memref<16x128xf32, #tpu.memory_space<vmem>>) offsets(%add3A_131 : vector<16xi32>) semaphore(%arg12 : memref<!tpu.dma_semaphore, #tpu.memory_space<semaphore_mem>>)
    %add3A_138 = arith.constant 48 : i32
    %add3A_139 = arith.addi %mul3A_2, %add3A_138 : i32
    %jit3A_140 = arith.constant 64 : i32
    %div3A_141 = arith.divsi %add3A_139, %jit3A_140 : i32
    %sign3A_142 = arith.constant 0 : i32
    %sign3A_143 = arith.cmpi sgt, %add3A_139, %sign3A_142 : i32
    %sign3A_144 = arith.extui %sign3A_143 : i1 to i32
    %sign3A_145 = arith.constant 0 : i32
    %sign3A_146 = arith.cmpi slt, %add3A_139, %sign3A_145 : i32
    %sign3A_147 = arith.extui %sign3A_146 : i1 to i32
    %sign3A_148 = arith.subi %sign3A_144, %sign3A_147 : i32
    %sign3A_149 = arith.constant 0 : i32
    %sign3A_150 = arith.cmpi sgt, %jit3A_140, %sign3A_149 : i32
    %sign3A_151 = arith.extui %sign3A_150 : i1 to i32
    %sign3A_152 = arith.constant 0 : i32
    %sign3A_153 = arith.cmpi slt, %jit3A_140, %sign3A_152 : i32
    %sign3A_154 = arith.extui %sign3A_153 : i1 to i32
    %sign3A_155 = arith.subi %sign3A_151, %sign3A_154 : i32
    %ne3A_156 = arith.cmpi ne, %sign3A_148, %sign3A_155 : i32
    %rem3A_157 = arith.remsi %add3A_139, %jit3A_140 : i32
    %ne3A_158 = arith.constant 0 : i32
    %ne3A_159 = arith.cmpi ne, %rem3A_157, %ne3A_158 : i32
    %and3A_160 = arith.andi %ne3A_156, %ne3A_159 : i1
    %sub3A_161 = arith.constant 1 : i32
    %sub3A_162 = arith.subi %div3A_141, %sub3A_161 : i32
    %select_n3A_163 = arith.select %and3A_160, %sub3A_162, %div3A_141 : i32
    %mul3A_164 = arith.constant 16384 : i32
    %mul3A_165 = arith.muli %select_n3A_163, %mul3A_164 : i32
    %get3A_166 = arith.constant 48 : index
    %get3A_167 = tpu.vector_load %arg6[%get3A_166] {strides = array<i32>} : memref<128xi32, #tpu.memory_space<vmem>>, vector<16xi32>,
    %get3A_168 = vector.shape_cast %get3A_167 : vector<16xi32> to vector<16xi32>
    %get3A_169 = arith.constant 48 : index
    %get3A_170 = tpu.vector_load %arg7[%get3A_169] {strides = array<i32>} : memref<128xi32, #tpu.memory_space<vmem>>, vector<16xi32>,
    %get3A_171 = vector.shape_cast %get3A_170 : vector<16xi32> to vector<16xi32>
    %mul3A_172 = arith.constant 128 : i32
    %mul3A_173 = vector.broadcast %mul3A_172 : i32 to vector<16xi32>
    %mul3A_174 = arith.muli %get3A_168, %mul3A_173 : vector<16xi32>
    %add3A_175 = vector.broadcast %mul3A_165 : i32 to vector<16xi32>
    %add3A_176 = arith.addi %add3A_175, %mul3A_174 : vector<16xi32>
    %add3A_177 = arith.addi %add3A_176, %get3A_171 : vector<16xi32>
    %dma_start3A_178 = arith.constant 48 : i32
    %dma_start3A_179 = arith.constant 0 : i32
    %dma_start3A_180 = tpu.memref_slice %arg8[%dma_start3A_178, %dma_start3A_179] : memref<128x128xf32, #tpu.memory_space<vmem>> -> memref<16x128xf32, #tpu.memory_space<vmem>>
    %dma_start3A_181 = arith.constant 0 : i32
    %dma_start3A_182 = arith.constant 0 : i32
    %dma_start3A_183 = tpu.memref_slice %arg2[%dma_start3A_181, %dma_start3A_182] : memref<524288x128xf32, #tpu.memory_space<hbm>> -> memref<524288x128xf32, #tpu.memory_space<hbm>>
    tpu.enqueue_indirect_dma source(%dma_start3A_183 : memref<524288x128xf32, #tpu.memory_space<hbm>>) target(%dma_start3A_180 : memref<16x128xf32, #tpu.memory_space<vmem>>) offsets(%add3A_177 : vector<16xi32>) semaphore(%arg13 : memref<!tpu.dma_semaphore, #tpu.memory_space<semaphore_mem>>)
    %add3A_184 = arith.constant 64 : i32
    %add3A_185 = arith.addi %mul3A_2, %add3A_184 : i32
    %jit3A_186 = arith.constant 64 : i32
    %div3A_187 = arith.divsi %add3A_185, %jit3A_186 : i32
    %sign3A_188 = arith.constant 0 : i32
    %sign3A_189 = arith.cmpi sgt, %add3A_185, %sign3A_188 : i32
    %sign3A_190 = arith.extui %sign3A_189 : i1 to i32
    %sign3A_191 = arith.constant 0 : i32
    %sign3A_192 = arith.cmpi slt, %add3A_185, %sign3A_191 : i32
    %sign3A_193 = arith.extui %sign3A_192 : i1 to i32
    %sign3A_194 = arith.subi %sign3A_190, %sign3A_193 : i32
    %sign3A_195 = arith.constant 0 : i32
    %sign3A_196 = arith.cmpi sgt, %jit3A_186, %sign3A_195 : i32
    %sign3A_197 = arith.extui %sign3A_196 : i1 to i32
    %sign3A_198 = arith.constant 0 : i32
    %sign3A_199 = arith.cmpi slt, %jit3A_186, %sign3A_198 : i32
    %sign3A_200 = arith.extui %sign3A_199 : i1 to i32
    %sign3A_201 = arith.subi %sign3A_197, %sign3A_200 : i32
    %ne3A_202 = arith.cmpi ne, %sign3A_194, %sign3A_201 : i32
    %rem3A_203 = arith.remsi %add3A_185, %jit3A_186 : i32
    %ne3A_204 = arith.constant 0 : i32
    %ne3A_205 = arith.cmpi ne, %rem3A_203, %ne3A_204 : i32
    %and3A_206 = arith.andi %ne3A_202, %ne3A_205 : i1
    %sub3A_207 = arith.constant 1 : i32
    %sub3A_208 = arith.subi %div3A_187, %sub3A_207 : i32
    %select_n3A_209 = arith.select %and3A_206, %sub3A_208, %div3A_187 : i32
    %mul3A_210 = arith.constant 16384 : i32
    %mul3A_211 = arith.muli %select_n3A_209, %mul3A_210 : i32
    %get3A_212 = arith.constant 64 : index
    %get3A_213 = tpu.vector_load %arg6[%get3A_212] {strides = array<i32>} : memref<128xi32, #tpu.memory_space<vmem>>, vector<16xi32>,
    %get3A_214 = vector.shape_cast %get3A_213 : vector<16xi32> to vector<16xi32>
    %get3A_215 = arith.constant 64 : index
    %get3A_216 = tpu.vector_load %arg7[%get3A_215] {strides = array<i32>} : memref<128xi32, #tpu.memory_space<vmem>>, vector<16xi32>,
    %get3A_217 = vector.shape_cast %get3A_216 : vector<16xi32> to vector<16xi32>
    %mul3A_218 = arith.constant 128 : i32
    %mul3A_219 = vector.broadcast %mul3A_218 : i32 to vector<16xi32>
    %mul3A_220 = arith.muli %get3A_214, %mul3A_219 : vector<16xi32>
    %add3A_221 = vector.broadcast %mul3A_211 : i32 to vector<16xi32>
    %add3A_222 = arith.addi %add3A_221, %mul3A_220 : vector<16xi32>
    %add3A_223 = arith.addi %add3A_222, %get3A_217 : vector<16xi32>
    %dma_start3A_224 = arith.constant 64 : i32
    %dma_start3A_225 = arith.constant 0 : i32
    %dma_start3A_226 = tpu.memref_slice %arg8[%dma_start3A_224, %dma_start3A_225] : memref<128x128xf32, #tpu.memory_space<vmem>> -> memref<16x128xf32, #tpu.memory_space<vmem>>
    %dma_start3A_227 = arith.constant 0 : i32
    %dma_start3A_228 = arith.constant 0 : i32
    %dma_start3A_229 = tpu.memref_slice %arg2[%dma_start3A_227, %dma_start3A_228] : memref<524288x128xf32, #tpu.memory_space<hbm>> -> memref<524288x128xf32, #tpu.memory_space<hbm>>
    tpu.enqueue_indirect_dma source(%dma_start3A_229 : memref<524288x128xf32, #tpu.memory_space<hbm>>) target(%dma_start3A_226 : memref<16x128xf32, #tpu.memory_space<vmem>>) offsets(%add3A_223 : vector<16xi32>) semaphore(%arg14 : memref<!tpu.dma_semaphore, #tpu.memory_space<semaphore_mem>>)
    %add3A_230 = arith.constant 80 : i32
    %add3A_231 = arith.addi %mul3A_2, %add3A_230 : i32
    %jit3A_232 = arith.constant 64 : i32
    %div3A_233 = arith.divsi %add3A_231, %jit3A_232 : i32
    %sign3A_234 = arith.constant 0 : i32
    %sign3A_235 = arith.cmpi sgt, %add3A_231, %sign3A_234 : i32
    %sign3A_236 = arith.extui %sign3A_235 : i1 to i32
    %sign3A_237 = arith.constant 0 : i32
    %sign3A_238 = arith.cmpi slt, %add3A_231, %sign3A_237 : i32
    %sign3A_239 = arith.extui %sign3A_238 : i1 to i32
    %sign3A_240 = arith.subi %sign3A_236, %sign3A_239 : i32
    %sign3A_241 = arith.constant 0 : i32
    %sign3A_242 = arith.cmpi sgt, %jit3A_232, %sign3A_241 : i32
    %sign3A_243 = arith.extui %sign3A_242 : i1 to i32
    %sign3A_244 = arith.constant 0 : i32
    %sign3A_245 = arith.cmpi slt, %jit3A_232, %sign3A_244 : i32
    %sign3A_246 = arith.extui %sign3A_245 : i1 to i32
    %sign3A_247 = arith.subi %sign3A_243, %sign3A_246 : i32
    %ne3A_248 = arith.cmpi ne, %sign3A_240, %sign3A_247 : i32
    %rem3A_249 = arith.remsi %add3A_231, %jit3A_232 : i32
    %ne3A_250 = arith.constant 0 : i32
    %ne3A_251 = arith.cmpi ne, %rem3A_249, %ne3A_250 : i32
    %and3A_252 = arith.andi %ne3A_248, %ne3A_251 : i1
    %sub3A_253 = arith.constant 1 : i32
    %sub3A_254 = arith.subi %div3A_233, %sub3A_253 : i32
    %select_n3A_255 = arith.select %and3A_252, %sub3A_254, %div3A_233 : i32
    %mul3A_256 = arith.constant 16384 : i32
    %mul3A_257 = arith.muli %select_n3A_255, %mul3A_256 : i32
    %get3A_258 = arith.constant 80 : index
    %get3A_259 = tpu.vector_load %arg6[%get3A_258] {strides = array<i32>} : memref<128xi32, #tpu.memory_space<vmem>>, vector<16xi32>,
    %get3A_260 = vector.shape_cast %get3A_259 : vector<16xi32> to vector<16xi32>
    %get3A_261 = arith.constant 80 : index
    %get3A_262 = tpu.vector_load %arg7[%get3A_261] {strides = array<i32>} : memref<128xi32, #tpu.memory_space<vmem>>, vector<16xi32>,
    %get3A_263 = vector.shape_cast %get3A_262 : vector<16xi32> to vector<16xi32>
    %mul3A_264 = arith.constant 128 : i32
    %mul3A_265 = vector.broadcast %mul3A_264 : i32 to vector<16xi32>
    %mul3A_266 = arith.muli %get3A_260, %mul3A_265 : vector<16xi32>
    %add3A_267 = vector.broadcast %mul3A_257 : i32 to vector<16xi32>
    %add3A_268 = arith.addi %add3A_267, %mul3A_266 : vector<16xi32>
    %add3A_269 = arith.addi %add3A_268, %get3A_263 : vector<16xi32>
    %dma_start3A_270 = arith.constant 80 : i32
    %dma_start3A_271 = arith.constant 0 : i32
    %dma_start3A_272 = tpu.memref_slice %arg8[%dma_start3A_270, %dma_start3A_271] : memref<128x128xf32, #tpu.memory_space<vmem>> -> memref<16x128xf32, #tpu.memory_space<vmem>>
    %dma_start3A_273 = arith.constant 0 : i32
    %dma_start3A_274 = arith.constant 0 : i32
    %dma_start3A_275 = tpu.memref_slice %arg2[%dma_start3A_273, %dma_start3A_274] : memref<524288x128xf32, #tpu.memory_space<hbm>> -> memref<524288x128xf32, #tpu.memory_space<hbm>>
    tpu.enqueue_indirect_dma source(%dma_start3A_275 : memref<524288x128xf32, #tpu.memory_space<hbm>>) target(%dma_start3A_272 : memref<16x128xf32, #tpu.memory_space<vmem>>) offsets(%add3A_269 : vector<16xi32>) semaphore(%arg15 : memref<!tpu.dma_semaphore, #tpu.memory_space<semaphore_mem>>)
    %add3A_276 = arith.constant 96 : i32
    %add3A_277 = arith.addi %mul3A_2, %add3A_276 : i32
    %jit3A_278 = arith.constant 64 : i32
    %div3A_279 = arith.divsi %add3A_277, %jit3A_278 : i32
    %sign3A_280 = arith.constant 0 : i32
    %sign3A_281 = arith.cmpi sgt, %add3A_277, %sign3A_280 : i32
    %sign3A_282 = arith.extui %sign3A_281 : i1 to i32
    %sign3A_283 = arith.constant 0 : i32
    %sign3A_284 = arith.cmpi slt, %add3A_277, %sign3A_283 : i32
    %sign3A_285 = arith.extui %sign3A_284 : i1 to i32
    %sign3A_286 = arith.subi %sign3A_282, %sign3A_285 : i32
    %sign3A_287 = arith.constant 0 : i32
    %sign3A_288 = arith.cmpi sgt, %jit3A_278, %sign3A_287 : i32
    %sign3A_289 = arith.extui %sign3A_288 : i1 to i32
    %sign3A_290 = arith.constant 0 : i32
    %sign3A_291 = arith.cmpi slt, %jit3A_278, %sign3A_290 : i32
    %sign3A_292 = arith.extui %sign3A_291 : i1 to i32
    %sign3A_293 = arith.subi %sign3A_289, %sign3A_292 : i32
    %ne3A_294 = arith.cmpi ne, %sign3A_286, %sign3A_293 : i32
    %rem3A_295 = arith.remsi %add3A_277, %jit3A_278 : i32
    %ne3A_296 = arith.constant 0 : i32
    %ne3A_297 = arith.cmpi ne, %rem3A_295, %ne3A_296 : i32
    %and3A_298 = arith.andi %ne3A_294, %ne3A_297 : i1
    %sub3A_299 = arith.constant 1 : i32
    %sub3A_300 = arith.subi %div3A_279, %sub3A_299 : i32
    %select_n3A_301 = arith.select %and3A_298, %sub3A_300, %div3A_279 : i32
    %mul3A_302 = arith.constant 16384 : i32
    %mul3A_303 = arith.muli %select_n3A_301, %mul3A_302 : i32
    %get3A_304 = arith.constant 96 : index
    %get3A_305 = tpu.vector_load %arg6[%get3A_304] {strides = array<i32>} : memref<128xi32, #tpu.memory_space<vmem>>, vector<16xi32>,
    %get3A_306 = vector.shape_cast %get3A_305 : vector<16xi32> to vector<16xi32>
    %get3A_307 = arith.constant 96 : index
    %get3A_308 = tpu.vector_load %arg7[%get3A_307] {strides = array<i32>} : memref<128xi32, #tpu.memory_space<vmem>>, vector<16xi32>,
    %get3A_309 = vector.shape_cast %get3A_308 : vector<16xi32> to vector<16xi32>
    %mul3A_310 = arith.constant 128 : i32
    %mul3A_311 = vector.broadcast %mul3A_310 : i32 to vector<16xi32>
    %mul3A_312 = arith.muli %get3A_306, %mul3A_311 : vector<16xi32>
    %add3A_313 = vector.broadcast %mul3A_303 : i32 to vector<16xi32>
    %add3A_314 = arith.addi %add3A_313, %mul3A_312 : vector<16xi32>
    %add3A_315 = arith.addi %add3A_314, %get3A_309 : vector<16xi32>
    %dma_start3A_316 = arith.constant 96 : i32
    %dma_start3A_317 = arith.constant 0 : i32
    %dma_start3A_318 = tpu.memref_slice %arg8[%dma_start3A_316, %dma_start3A_317] : memref<128x128xf32, #tpu.memory_space<vmem>> -> memref<16x128xf32, #tpu.memory_space<vmem>>
    %dma_start3A_319 = arith.constant 0 : i32
    %dma_start3A_320 = arith.constant 0 : i32
    %dma_start3A_321 = tpu.memref_slice %arg2[%dma_start3A_319, %dma_start3A_320] : memref<524288x128xf32, #tpu.memory_space<hbm>> -> memref<524288x128xf32, #tpu.memory_space<hbm>>
    tpu.enqueue_indirect_dma source(%dma_start3A_321 : memref<524288x128xf32, #tpu.memory_space<hbm>>) target(%dma_start3A_318 : memref<16x128xf32, #tpu.memory_space<vmem>>) offsets(%add3A_315 : vector<16xi32>) semaphore(%arg16 : memref<!tpu.dma_semaphore, #tpu.memory_space<semaphore_mem>>)
    %add3A_322 = arith.constant 112 : i32
    %add3A_323 = arith.addi %mul3A_2, %add3A_322 : i32
    %jit3A_324 = arith.constant 64 : i32
    %div3A_325 = arith.divsi %add3A_323, %jit3A_324 : i32
    %sign3A_326 = arith.constant 0 : i32
    %sign3A_327 = arith.cmpi sgt, %add3A_323, %sign3A_326 : i32
    %sign3A_328 = arith.extui %sign3A_327 : i1 to i32
    %sign3A_329 = arith.constant 0 : i32
    %sign3A_330 = arith.cmpi slt, %add3A_323, %sign3A_329 : i32
    %sign3A_331 = arith.extui %sign3A_330 : i1 to i32
    %sign3A_332 = arith.subi %sign3A_328, %sign3A_331 : i32
    %sign3A_333 = arith.constant 0 : i32
    %sign3A_334 = arith.cmpi sgt, %jit3A_324, %sign3A_333 : i32
    %sign3A_335 = arith.extui %sign3A_334 : i1 to i32
    %sign3A_336 = arith.constant 0 : i32
    %sign3A_337 = arith.cmpi slt, %jit3A_324, %sign3A_336 : i32
    %sign3A_338 = arith.extui %sign3A_337 : i1 to i32
    %sign3A_339 = arith.subi %sign3A_335, %sign3A_338 : i32
    %ne3A_340 = arith.cmpi ne, %sign3A_332, %sign3A_339 : i32
    %rem3A_341 = arith.remsi %add3A_323, %jit3A_324 : i32
    %ne3A_342 = arith.constant 0 : i32
    %ne3A_343 = arith.cmpi ne, %rem3A_341, %ne3A_342 : i32
    %and3A_344 = arith.andi %ne3A_340, %ne3A_343 : i1
    %sub3A_345 = arith.constant 1 : i32
    %sub3A_346 = arith.subi %div3A_325, %sub3A_345 : i32
    %select_n3A_347 = arith.select %and3A_344, %sub3A_346, %div3A_325 : i32
    %mul3A_348 = arith.constant 16384 : i32
    %mul3A_349 = arith.muli %select_n3A_347, %mul3A_348 : i32
    %get3A_350 = arith.constant 112 : index
    %get3A_351 = tpu.vector_load %arg6[%get3A_350] {strides = array<i32>} : memref<128xi32, #tpu.memory_space<vmem>>, vector<16xi32>,
    %get3A_352 = vector.shape_cast %get3A_351 : vector<16xi32> to vector<16xi32>
    %get3A_353 = arith.constant 112 : index
    %get3A_354 = tpu.vector_load %arg7[%get3A_353] {strides = array<i32>} : memref<128xi32, #tpu.memory_space<vmem>>, vector<16xi32>,
    %get3A_355 = vector.shape_cast %get3A_354 : vector<16xi32> to vector<16xi32>
    %mul3A_356 = arith.constant 128 : i32
    %mul3A_357 = vector.broadcast %mul3A_356 : i32 to vector<16xi32>
    %mul3A_358 = arith.muli %get3A_352, %mul3A_357 : vector<16xi32>
    %add3A_359 = vector.broadcast %mul3A_349 : i32 to vector<16xi32>
    %add3A_360 = arith.addi %add3A_359, %mul3A_358 : vector<16xi32>
    %add3A_361 = arith.addi %add3A_360, %get3A_355 : vector<16xi32>
    %dma_start3A_362 = arith.constant 112 : i32
    %dma_start3A_363 = arith.constant 0 : i32
    %dma_start3A_364 = tpu.memref_slice %arg8[%dma_start3A_362, %dma_start3A_363] : memref<128x128xf32, #tpu.memory_space<vmem>> -> memref<16x128xf32, #tpu.memory_space<vmem>>
    %dma_start3A_365 = arith.constant 0 : i32
    %dma_start3A_366 = arith.constant 0 : i32
    %dma_start3A_367 = tpu.memref_slice %arg2[%dma_start3A_365, %dma_start3A_366] : memref<524288x128xf32, #tpu.memory_space<hbm>> -> memref<524288x128xf32, #tpu.memory_space<hbm>>
    tpu.enqueue_indirect_dma source(%dma_start3A_367 : memref<524288x128xf32, #tpu.memory_space<hbm>>) target(%dma_start3A_364 : memref<16x128xf32, #tpu.memory_space<vmem>>) offsets(%add3A_361 : vector<16xi32>) semaphore(%arg17 : memref<!tpu.dma_semaphore, #tpu.memory_space<semaphore_mem>>)
    %dma_wait3A_368 = arith.constant 0 : i32
    %dma_wait3A_369 = arith.constant 0 : i32
    %dma_wait3A_370 = tpu.memref_slice %arg8[%dma_wait3A_368, %dma_wait3A_369] : memref<128x128xf32, #tpu.memory_space<vmem>> -> memref<16x128xf32, #tpu.memory_space<vmem>>
    %dma_wait3A_371 = arith.constant 0 : i32
    %dma_wait3A_372 = arith.constant 0 : i32
    %dma_wait3A_373 = tpu.memref_slice %arg2[%dma_wait3A_371, %dma_wait3A_372] : memref<524288x128xf32, #tpu.memory_space<hbm>> -> memref<524288x128xf32, #tpu.memory_space<hbm>>
    tpu.wait_indirect_dma semaphore(%arg10 : memref<!tpu.dma_semaphore, #tpu.memory_space<semaphore_mem>>) src(%dma_wait3A_373 : memref<524288x128xf32, #tpu.memory_space<hbm>>) dst(%dma_wait3A_370 : memref<16x128xf32, #tpu.memory_space<vmem>>)
    %dma_wait3A_374 = arith.constant 16 : i32
    %dma_wait3A_375 = arith.constant 0 : i32
    %dma_wait3A_376 = tpu.memref_slice %arg8[%dma_wait3A_374, %dma_wait3A_375] : memref<128x128xf32, #tpu.memory_space<vmem>> -> memref<16x128xf32, #tpu.memory_space<vmem>>
    %dma_wait3A_377 = arith.constant 0 : i32
    %dma_wait3A_378 = arith.constant 0 : i32
    %dma_wait3A_379 = tpu.memref_slice %arg2[%dma_wait3A_377, %dma_wait3A_378] : memref<524288x128xf32, #tpu.memory_space<hbm>> -> memref<524288x128xf32, #tpu.memory_space<hbm>>
    tpu.wait_indirect_dma semaphore(%arg11 : memref<!tpu.dma_semaphore, #tpu.memory_space<semaphore_mem>>) src(%dma_wait3A_379 : memref<524288x128xf32, #tpu.memory_space<hbm>>) dst(%dma_wait3A_376 : memref<16x128xf32, #tpu.memory_space<vmem>>)
    %add3A_380 = arith.constant 0 : i32
    %add3A_381 = arith.addi %mul3A_2, %add3A_380 : i32
    %dma_start3A_382 = arith.constant 0 : i32
    %dma_start3A_383 = arith.constant 0 : i32
    %dma_start3A_384 = tpu.memref_slice %arg8[%dma_start3A_382, %dma_start3A_383] : memref<128x128xf32, #tpu.memory_space<vmem>> -> memref<32x128xf32, #tpu.memory_space<vmem>>
    %dma_start3A_385 = arith.constant 0 : i32
    %dma_start3A_386 = tpu.memref_slice %arg5[%add3A_381, %dma_start3A_385] : memref<2048x128xf32, #tpu.memory_space<hbm>> -> memref<32x128xf32, #tpu.memory_space<hbm>>
    %dma_start3A_387 = arith.constant 0 : i32
    %dma_start3A_388 = tpu.memref_slice %arg5[%add3A_381, %dma_start3A_387] : memref<2048x128xf32, #tpu.memory_space<hbm>> -> memref<32x128xf32, #tpu.memory_space<hbm>>
    %dma_start3A_389 = arith.constant 0 : i32
    %dma_start3A_390 = arith.constant 0 : i32
    %dma_start3A_391 = tpu.memref_slice %arg8[%dma_start3A_389, %dma_start3A_390] : memref<128x128xf32, #tpu.memory_space<vmem>> -> memref<32x128xf32, #tpu.memory_space<vmem>>
    tpu.enqueue_dma source(%dma_start3A_391 : memref<32x128xf32, #tpu.memory_space<vmem>>) target(%dma_start3A_388 : memref<32x128xf32, #tpu.memory_space<hbm>>) target_semaphore(%arg18 : memref<!tpu.dma_semaphore, #tpu.memory_space<semaphore_mem>>)
    %dma_wait3A_392 = arith.constant 32 : i32
    %dma_wait3A_393 = arith.constant 0 : i32
    %dma_wait3A_394 = tpu.memref_slice %arg8[%dma_wait3A_392, %dma_wait3A_393] : memref<128x128xf32, #tpu.memory_space<vmem>> -> memref<16x128xf32, #tpu.memory_space<vmem>>
    %dma_wait3A_395 = arith.constant 0 : i32
    %dma_wait3A_396 = arith.constant 0 : i32
    %dma_wait3A_397 = tpu.memref_slice %arg2[%dma_wait3A_395, %dma_wait3A_396] : memref<524288x128xf32, #tpu.memory_space<hbm>> -> memref<524288x128xf32, #tpu.memory_space<hbm>>
    tpu.wait_indirect_dma semaphore(%arg12 : memref<!tpu.dma_semaphore, #tpu.memory_space<semaphore_mem>>) src(%dma_wait3A_397 : memref<524288x128xf32, #tpu.memory_space<hbm>>) dst(%dma_wait3A_394 : memref<16x128xf32, #tpu.memory_space<vmem>>)
    %dma_wait3A_398 = arith.constant 48 : i32
    %dma_wait3A_399 = arith.constant 0 : i32
    %dma_wait3A_400 = tpu.memref_slice %arg8[%dma_wait3A_398, %dma_wait3A_399] : memref<128x128xf32, #tpu.memory_space<vmem>> -> memref<16x128xf32, #tpu.memory_space<vmem>>
    %dma_wait3A_401 = arith.constant 0 : i32
    %dma_wait3A_402 = arith.constant 0 : i32
    %dma_wait3A_403 = tpu.memref_slice %arg2[%dma_wait3A_401, %dma_wait3A_402] : memref<524288x128xf32, #tpu.memory_space<hbm>> -> memref<524288x128xf32, #tpu.memory_space<hbm>>
    tpu.wait_indirect_dma semaphore(%arg13 : memref<!tpu.dma_semaphore, #tpu.memory_space<semaphore_mem>>) src(%dma_wait3A_403 : memref<524288x128xf32, #tpu.memory_space<hbm>>) dst(%dma_wait3A_400 : memref<16x128xf32, #tpu.memory_space<vmem>>)
    %add3A_404 = arith.constant 32 : i32
    %add3A_405 = arith.addi %mul3A_2, %add3A_404 : i32
    %dma_start3A_406 = arith.constant 32 : i32
    %dma_start3A_407 = arith.constant 0 : i32
    %dma_start3A_408 = tpu.memref_slice %arg8[%dma_start3A_406, %dma_start3A_407] : memref<128x128xf32, #tpu.memory_space<vmem>> -> memref<32x128xf32, #tpu.memory_space<vmem>>
    %dma_start3A_409 = arith.constant 0 : i32
    %dma_start3A_410 = tpu.memref_slice %arg5[%add3A_405, %dma_start3A_409] : memref<2048x128xf32, #tpu.memory_space<hbm>> -> memref<32x128xf32, #tpu.memory_space<hbm>>
    %dma_start3A_411 = arith.constant 0 : i32
    %dma_start3A_412 = tpu.memref_slice %arg5[%add3A_405, %dma_start3A_411] : memref<2048x128xf32, #tpu.memory_space<hbm>> -> memref<32x128xf32, #tpu.memory_space<hbm>>
    %dma_start3A_413 = arith.constant 32 : i32
    %dma_start3A_414 = arith.constant 0 : i32
    %dma_start3A_415 = tpu.memref_slice %arg8[%dma_start3A_413, %dma_start3A_414] : memref<128x128xf32, #tpu.memory_space<vmem>> -> memref<32x128xf32, #tpu.memory_space<vmem>>
    tpu.enqueue_dma source(%dma_start3A_415 : memref<32x128xf32, #tpu.memory_space<vmem>>) target(%dma_start3A_412 : memref<32x128xf32, #tpu.memory_space<hbm>>) target_semaphore(%arg18 : memref<!tpu.dma_semaphore, #tpu.memory_space<semaphore_mem>>)
    %dma_wait3A_416 = arith.constant 64 : i32
    %dma_wait3A_417 = arith.constant 0 : i32
    %dma_wait3A_418 = tpu.memref_slice %arg8[%dma_wait3A_416, %dma_wait3A_417] : memref<128x128xf32, #tpu.memory_space<vmem>> -> memref<16x128xf32, #tpu.memory_space<vmem>>
    %dma_wait3A_419 = arith.constant 0 : i32
    %dma_wait3A_420 = arith.constant 0 : i32
    %dma_wait3A_421 = tpu.memref_slice %arg2[%dma_wait3A_419, %dma_wait3A_420] : memref<524288x128xf32, #tpu.memory_space<hbm>> -> memref<524288x128xf32, #tpu.memory_space<hbm>>
    tpu.wait_indirect_dma semaphore(%arg14 : memref<!tpu.dma_semaphore, #tpu.memory_space<semaphore_mem>>) src(%dma_wait3A_421 : memref<524288x128xf32, #tpu.memory_space<hbm>>) dst(%dma_wait3A_418 : memref<16x128xf32, #tpu.memory_space<vmem>>)
    %dma_wait3A_422 = arith.constant 80 : i32
    %dma_wait3A_423 = arith.constant 0 : i32
    %dma_wait3A_424 = tpu.memref_slice %arg8[%dma_wait3A_422, %dma_wait3A_423] : memref<128x128xf32, #tpu.memory_space<vmem>> -> memref<16x128xf32, #tpu.memory_space<vmem>>
    %dma_wait3A_425 = arith.constant 0 : i32
    %dma_wait3A_426 = arith.constant 0 : i32
    %dma_wait3A_427 = tpu.memref_slice %arg2[%dma_wait3A_425, %dma_wait3A_426] : memref<524288x128xf32, #tpu.memory_space<hbm>> -> memref<524288x128xf32, #tpu.memory_space<hbm>>
    tpu.wait_indirect_dma semaphore(%arg15 : memref<!tpu.dma_semaphore, #tpu.memory_space<semaphore_mem>>) src(%dma_wait3A_427 : memref<524288x128xf32, #tpu.memory_space<hbm>>) dst(%dma_wait3A_424 : memref<16x128xf32, #tpu.memory_space<vmem>>)
    %add3A_428 = arith.constant 64 : i32
    %add3A_429 = arith.addi %mul3A_2, %add3A_428 : i32
    %dma_start3A_430 = arith.constant 64 : i32
    %dma_start3A_431 = arith.constant 0 : i32
    %dma_start3A_432 = tpu.memref_slice %arg8[%dma_start3A_430, %dma_start3A_431] : memref<128x128xf32, #tpu.memory_space<vmem>> -> memref<32x128xf32, #tpu.memory_space<vmem>>
    %dma_start3A_433 = arith.constant 0 : i32
    %dma_start3A_434 = tpu.memref_slice %arg5[%add3A_429, %dma_start3A_433] : memref<2048x128xf32, #tpu.memory_space<hbm>> -> memref<32x128xf32, #tpu.memory_space<hbm>>
    %dma_start3A_435 = arith.constant 0 : i32
    %dma_start3A_436 = tpu.memref_slice %arg5[%add3A_429, %dma_start3A_435] : memref<2048x128xf32, #tpu.memory_space<hbm>> -> memref<32x128xf32, #tpu.memory_space<hbm>>
    %dma_start3A_437 = arith.constant 64 : i32
    %dma_start3A_438 = arith.constant 0 : i32
    %dma_start3A_439 = tpu.memref_slice %arg8[%dma_start3A_437, %dma_start3A_438] : memref<128x128xf32, #tpu.memory_space<vmem>> -> memref<32x128xf32, #tpu.memory_space<vmem>>
    tpu.enqueue_dma source(%dma_start3A_439 : memref<32x128xf32, #tpu.memory_space<vmem>>) target(%dma_start3A_436 : memref<32x128xf32, #tpu.memory_space<hbm>>) target_semaphore(%arg18 : memref<!tpu.dma_semaphore, #tpu.memory_space<semaphore_mem>>)
    %dma_wait3A_440 = arith.constant 96 : i32
    %dma_wait3A_441 = arith.constant 0 : i32
    %dma_wait3A_442 = tpu.memref_slice %arg8[%dma_wait3A_440, %dma_wait3A_441] : memref<128x128xf32, #tpu.memory_space<vmem>> -> memref<16x128xf32, #tpu.memory_space<vmem>>
    %dma_wait3A_443 = arith.constant 0 : i32
    %dma_wait3A_444 = arith.constant 0 : i32
    %dma_wait3A_445 = tpu.memref_slice %arg2[%dma_wait3A_443, %dma_wait3A_444] : memref<524288x128xf32, #tpu.memory_space<hbm>> -> memref<524288x128xf32, #tpu.memory_space<hbm>>
    tpu.wait_indirect_dma semaphore(%arg16 : memref<!tpu.dma_semaphore, #tpu.memory_space<semaphore_mem>>) src(%dma_wait3A_445 : memref<524288x128xf32, #tpu.memory_space<hbm>>) dst(%dma_wait3A_442 : memref<16x128xf32, #tpu.memory_space<vmem>>)
    %dma_wait3A_446 = arith.constant 112 : i32
    %dma_wait3A_447 = arith.constant 0 : i32
    %dma_wait3A_448 = tpu.memref_slice %arg8[%dma_wait3A_446, %dma_wait3A_447] : memref<128x128xf32, #tpu.memory_space<vmem>> -> memref<16x128xf32, #tpu.memory_space<vmem>>
    %dma_wait3A_449 = arith.constant 0 : i32
    %dma_wait3A_450 = arith.constant 0 : i32
    %dma_wait3A_451 = tpu.memref_slice %arg2[%dma_wait3A_449, %dma_wait3A_450] : memref<524288x128xf32, #tpu.memory_space<hbm>> -> memref<524288x128xf32, #tpu.memory_space<hbm>>
    tpu.wait_indirect_dma semaphore(%arg17 : memref<!tpu.dma_semaphore, #tpu.memory_space<semaphore_mem>>) src(%dma_wait3A_451 : memref<524288x128xf32, #tpu.memory_space<hbm>>) dst(%dma_wait3A_448 : memref<16x128xf32, #tpu.memory_space<vmem>>)
    %add3A_452 = arith.constant 96 : i32
    %add3A_453 = arith.addi %mul3A_2, %add3A_452 : i32
    %dma_start3A_454 = arith.constant 96 : i32
    %dma_start3A_455 = arith.constant 0 : i32
    %dma_start3A_456 = tpu.memref_slice %arg8[%dma_start3A_454, %dma_start3A_455] : memref<128x128xf32, #tpu.memory_space<vmem>> -> memref<32x128xf32, #tpu.memory_space<vmem>>
    %dma_start3A_457 = arith.constant 0 : i32
    %dma_start3A_458 = tpu.memref_slice %arg5[%add3A_453, %dma_start3A_457] : memref<2048x128xf32, #tpu.memory_space<hbm>> -> memref<32x128xf32, #tpu.memory_space<hbm>>
    %dma_start3A_459 = arith.constant 0 : i32
    %dma_start3A_460 = tpu.memref_slice %arg5[%add3A_453, %dma_start3A_459] : memref<2048x128xf32, #tpu.memory_space<hbm>> -> memref<32x128xf32, #tpu.memory_space<hbm>>
    %dma_start3A_461 = arith.constant 96 : i32
    %dma_start3A_462 = arith.constant 0 : i32
    %dma_start3A_463 = tpu.memref_slice %arg8[%dma_start3A_461, %dma_start3A_462] : memref<128x128xf32, #tpu.memory_space<vmem>> -> memref<32x128xf32, #tpu.memory_space<vmem>>
    tpu.enqueue_dma source(%dma_start3A_463 : memref<32x128xf32, #tpu.memory_space<vmem>>) target(%dma_start3A_460 : memref<32x128xf32, #tpu.memory_space<hbm>>) target_semaphore(%arg18 : memref<!tpu.dma_semaphore, #tpu.memory_space<semaphore_mem>>)
    %dma_wait3A_464 = arith.constant 0 : i32
    %dma_wait3A_465 = arith.constant 0 : i32
    %dma_wait3A_466 = tpu.memref_slice %arg8[%dma_wait3A_464, %dma_wait3A_465] : memref<128x128xf32, #tpu.memory_space<vmem>> -> memref<32x128xf32, #tpu.memory_space<vmem>>
    %dma_wait3A_467 = arith.constant 0 : i32
    %dma_wait3A_468 = tpu.memref_slice %arg5[%add3A_381, %dma_wait3A_467] : memref<2048x128xf32, #tpu.memory_space<hbm>> -> memref<32x128xf32, #tpu.memory_space<hbm>>
    %dma_wait3A_469 = arith.constant 0 : i32
    %dma_wait3A_470 = tpu.memref_slice %arg5[%add3A_381, %dma_wait3A_469] : memref<2048x128xf32, #tpu.memory_space<hbm>> -> memref<32x128xf32, #tpu.memory_space<hbm>>
    %dma_wait3A_471 = arith.constant 0 : i32
    %dma_wait3A_472 = arith.constant 0 : i32
    %dma_wait3A_473 = tpu.memref_slice %arg8[%dma_wait3A_471, %dma_wait3A_472] : memref<128x128xf32, #tpu.memory_space<vmem>> -> memref<32x128xf32, #tpu.memory_space<vmem>>
    tpu.wait_dma2 semaphore(%arg18 : memref<!tpu.dma_semaphore, #tpu.memory_space<semaphore_mem>>) src(%dma_wait3A_473 : memref<32x128xf32, #tpu.memory_space<vmem>>) dst(%dma_wait3A_470 : memref<32x128xf32, #tpu.memory_space<hbm>>)
    %dma_wait3A_474 = arith.constant 32 : i32
    %dma_wait3A_475 = arith.constant 0 : i32
    %dma_wait3A_476 = tpu.memref_slice %arg8[%dma_wait3A_474, %dma_wait3A_475] : memref<128x128xf32, #tpu.memory_space<vmem>> -> memref<32x128xf32, #tpu.memory_space<vmem>>
    %dma_wait3A_477 = arith.constant 0 : i32
    %dma_wait3A_478 = tpu.memref_slice %arg5[%add3A_405, %dma_wait3A_477] : memref<2048x128xf32, #tpu.memory_space<hbm>> -> memref<32x128xf32, #tpu.memory_space<hbm>>
    %dma_wait3A_479 = arith.constant 0 : i32
    %dma_wait3A_480 = tpu.memref_slice %arg5[%add3A_405, %dma_wait3A_479] : memref<2048x128xf32, #tpu.memory_space<hbm>> -> memref<32x128xf32, #tpu.memory_space<hbm>>
    %dma_wait3A_481 = arith.constant 32 : i32
    %dma_wait3A_482 = arith.constant 0 : i32
    %dma_wait3A_483 = tpu.memref_slice %arg8[%dma_wait3A_481, %dma_wait3A_482] : memref<128x128xf32, #tpu.memory_space<vmem>> -> memref<32x128xf32, #tpu.memory_space<vmem>>
    tpu.wait_dma2 semaphore(%arg18 : memref<!tpu.dma_semaphore, #tpu.memory_space<semaphore_mem>>) src(%dma_wait3A_483 : memref<32x128xf32, #tpu.memory_space<vmem>>) dst(%dma_wait3A_480 : memref<32x128xf32, #tpu.memory_space<hbm>>)
    %dma_wait3A_484 = arith.constant 64 : i32
    %dma_wait3A_485 = arith.constant 0 : i32
    %dma_wait3A_486 = tpu.memref_slice %arg8[%dma_wait3A_484, %dma_wait3A_485] : memref<128x128xf32, #tpu.memory_space<vmem>> -> memref<32x128xf32, #tpu.memory_space<vmem>>
    %dma_wait3A_487 = arith.constant 0 : i32
    %dma_wait3A_488 = tpu.memref_slice %arg5[%add3A_429, %dma_wait3A_487] : memref<2048x128xf32, #tpu.memory_space<hbm>> -> memref<32x128xf32, #tpu.memory_space<hbm>>
    %dma_wait3A_489 = arith.constant 0 : i32
    %dma_wait3A_490 = tpu.memref_slice %arg5[%add3A_429, %dma_wait3A_489] : memref<2048x128xf32, #tpu.memory_space<hbm>> -> memref<32x128xf32, #tpu.memory_space<hbm>>
    %dma_wait3A_491 = arith.constant 64 : i32
    %dma_wait3A_492 = arith.constant 0 : i32
    %dma_wait3A_493 = tpu.memref_slice %arg8[%dma_wait3A_491, %dma_wait3A_492] : memref<128x128xf32, #tpu.memory_space<vmem>> -> memref<32x128xf32, #tpu.memory_space<vmem>>
    tpu.wait_dma2 semaphore(%arg18 : memref<!tpu.dma_semaphore, #tpu.memory_space<semaphore_mem>>) src(%dma_wait3A_493 : memref<32x128xf32, #tpu.memory_space<vmem>>) dst(%dma_wait3A_490 : memref<32x128xf32, #tpu.memory_space<hbm>>)
    %dma_wait3A_494 = arith.constant 96 : i32
    %dma_wait3A_495 = arith.constant 0 : i32
    %dma_wait3A_496 = tpu.memref_slice %arg8[%dma_wait3A_494, %dma_wait3A_495] : memref<128x128xf32, #tpu.memory_space<vmem>> -> memref<32x128xf32, #tpu.memory_space<vmem>>
    %dma_wait3A_497 = arith.constant 0 : i32
    %dma_wait3A_498 = tpu.memref_slice %arg5[%add3A_453, %dma_wait3A_497] : memref<2048x128xf32, #tpu.memory_space<hbm>> -> memref<32x128xf32, #tpu.memory_space<hbm>>
    %dma_wait3A_499 = arith.constant 0 : i32
    %dma_wait3A_500 = tpu.memref_slice %arg5[%add3A_453, %dma_wait3A_499] : memref<2048x128xf32, #tpu.memory_space<hbm>> -> memref<32x128xf32, #tpu.memory_space<hbm>>
    %dma_wait3A_501 = arith.constant 96 : i32
    %dma_wait3A_502 = arith.constant 0 : i32
    %dma_wait3A_503 = tpu.memref_slice %arg8[%dma_wait3A_501, %dma_wait3A_502] : memref<128x128xf32, #tpu.memory_space<vmem>> -> memref<32x128xf32, #tpu.memory_space<vmem>>
    tpu.wait_dma2 semaphore(%arg18 : memref<!tpu.dma_semaphore, #tpu.memory_space<semaphore_mem>>) src(%dma_wait3A_503 : memref<32x128xf32, #tpu.memory_space<vmem>>) dst(%dma_wait3A_500 : memref<32x128xf32, #tpu.memory_space<hbm>>)
    return
  }
}

</mosaic_0001>

<sc_bundles>
// kernel: kernel.3.cloned.1.call-start
scs
__scs_entry_jumppad:
0x0: {  	(pc) =	sbr.rel $0x88, $3  }
0x1: {  	(tag) =	ssettag $0x0;
	lr =	simm.s32 $0x1  }
0x2: {  	[smem:$0x3F9F] =	sst lr;
	_ =	strace $0xD0000000  }
0x3: {  	_ = 	snop  }
0x4: {  	_ = 	snop  }
0x5: {  	_ = 	snop  }
0x6: {  	_ = 	snop  }
0x7: {  	_ = 	snop  }
__scs_overlays_trampoline_lowered:
0x8: {  	[smem:$0x3FAE] =	sst s0  }
0x9: {  	[smem:$0x3FAF] =	sst s1  }
0xa: {  	[smem:$0x3FB0] =	sst s2  }
0xb: {  	[smem:$0x3FB1] =	sst s3  }
0xc: {  	[smem:$0x3FB2] =	sst s4  }
0xd: {  	[smem:$0x3FB3] =	sst s5  }
0xe: {  	[smem:$0x3FB4] =	sst s6  }
0xf: {  	[smem:$0x3FB5] =	sst s7  }
0x10: {  	[smem:$0x3FB6] =	sst s8  }
0x11: {  	[smem:$0x3FB7] =	sst s9;
	s0 =	simm.s32 @!p0 $0x0  }
0x12: {  	s1 =	sld [smem:$0x3F9D];
	s0 =	simm.s32 @p0 $0x1  }
0x13: {  	[smem:$0x3FB8] =	sst s0;
	s0 =	simm.s32 @!p1 $0x0  }
0x14: {  	s2 =	sld [smem:$0x3F9C];
	s0 =	simm.s32 @p1 $0x1  }
0x15: {  	[smem:$0x3FB9] =	sst s0;
	s0 =	simm.s32 @!p2 $0x0  }
0x16: {  	s3 =	sld [smem:$0x3FDB];
	s0 =	simm.s32 @p2 $0x1  }
0x17: {  	s4 =	simm.s32 $0x1BF5;
	[smem:$0x3FBB] =	sst s0  }
0x18: {  	s0 =	sld [smem:$0x3F9E];
	_ =	swait.ge [sflag:s4], $0x0  }
0x19: {  	s7 =	sld [smem:$0x3F9F]  }
0x1a: {  	s8 =	sadd.s32 $0xFFFFE003, lr  }
0x1b: {  	s9 =	sadd.s32 $0xFFFFFEF7, lr;
	s5 =	simm.s32 $0xFFFFFFFF;
	p2 =	slt.u32 s8, $0xFFFFF086  }
0x1c: {  	p1 =	slt.u32 s9, $0xF7A;
	s5 =	simm.s32 @!p2 $0x0  }
0x1d: {  	s5 =	simm.s32 @p1 $0x1;
	p0 =	seq.s32 s7, s2  }
0x1e: {  	s7 =	smul.u32 @!p0 $0xF7A, s2;
	p2 =	seq.s32 @!p0 s5, $0x0  }
0x1f: {  	s9 =	smul.u32 $0xF7A, s1;
	s8 =	simm.s32 @!p0 $0x1BF5;
	p2 =	por !p2, p0  }
0x20: {  	[sflag:s8] =	ssyncset.s32 @!p0 $0xFFFFF086;
	s6 =	sadd.s32 @!p0 s3, s7;
	s7 =	simm.s32 @!p0 $0x108  }
0x21: {  	s3 =	sadd.s32 s3, s9;
	s6 =	sadd.s32 @!p0 $0x88, s6;
	s7 =	simm.s32 @p2 $0x1082  }
0x22: {  	[simem:s7], [sflag:s8] =	dma.local @!p0 [hbm:s6], $0xF7A  }
0x23: {  	s9 =	sor.u32 $0xD0000000, s2;
	s6 =	simm.s32 $0x108;
	_ =	swait.ge @!p0 [sflag:s8], $0x0  }
0x24: {  	s3 =	sadd.s32 $0x88, s3;
	s6 =	simm.s32 @!p1 $0x1082;
	[sflag:s4] =	ssyncset.s32 $0xFFFFF086  }
0x25: {  	[simem:s6], [sflag:s4] =	dma.local [hbm:s3], $0xF7A  }
0x26: {  	[smem:$0x3F9F] =	sst s1;
	(tag) =	ssettag s2;
	_ =	strace s9  }
0x27: {  	s1 =	sld [smem:$0x3FAF]  }
0x28: {  	s2 =	sld [smem:$0x3FB0]  }
0x29: {  	s4 =	sld [smem:$0x3FB2]  }
0x2a: {  	p0 =	seq.s32 s5, $0x0;
	s5 =	sld [smem:$0x3FB3]  }
0x2b: {  	s6 =	sld [smem:$0x3FB4]  }
0x2c: {  	s7 =	sld [smem:$0x3FB5]  }
0x2d: {  	s3 =	simm.s32 $0x108;
	s8 =	sld [smem:$0x3FB6]  }
0x2e: {  	s3 =	simm.s32 @!p0 $0x1082;
	s9 =	sld [smem:$0x3FB7]  }
0x2f: {  	lr =	sadd.s32 s0, s3;
	s0 =	sld [smem:$0x3FAE]  }
0x30: {  	s3 =	sld [smem:$0x3FB1]  }
0x31: {  	[smem:$0x3FBA] =	sst s10  }
0x32: {  	s10 =	sld [smem:$0x3FB8];
	_ =	sdelay $0x3  }
0x33: {  	p0 =	seq.s32 s10, $0x1;
	s10 =	sld [smem:$0x3FBA];
	_ =	sdelay $0x3  }
0x34: {  	[smem:$0x3FBA] =	sst s10  }
0x35: {  	s10 =	sld [smem:$0x3FB9];
	_ =	sdelay $0x3  }
0x36: {  	p1 =	seq.s32 s10, $0x1;
	s10 =	sld [smem:$0x3FBA];
	_ =	sdelay $0x3  }
0x37: {  	[smem:$0x3FBA] =	sst s10  }
0x38: {  	s10 =	sld [smem:$0x3FBB]  }
0x39: {  	_ = 	snop;
	(pc) =	sbr.ind lr, $3  }
0x3a: {  	_ = 	snop  }
0x3b: {  	_ = 	snop  }
0x3c: {  	p2 =	seq.s32 s10, $0x1;
	s10 =	sld [smem:$0x3FBA]  }
0x3d: {  	_ =	shalt  }
0x3e: {  	_ =	shalt  }
0x3f: {  	_ =	shalt  }
0x40: {  	_ =	shalt  }
0x41: {  	_ =	shalt  }
0x42: {  	_ =	shalt  }
0x43: {  	_ =	shalt  }
0x44: {  	_ =	shalt  }
0x45: {  	_ =	shalt  }
0x46: {  	_ =	shalt  }
0x47: {  	_ =	shalt  }
0x48: {  	_ =	shalt  }
0x49: {  	_ =	shalt  }
0x4a: {  	_ =	shalt  }
0x4b: {  	_ =	shalt  }
0x4c: {  	_ =	shalt  }
0x4d: {  	_ =	shalt  }
0x4e: {  	_ =	shalt  }
0x4f: {  	_ =	shalt  }
0x50: {  	_ =	shalt  }
0x51: {  	_ =	shalt  }
0x52: {  	_ =	shalt  }
0x53: {  	_ =	shalt  }
0x54: {  	_ =	shalt  }
0x55: {  	_ =	shalt  }
0x56: {  	_ =	shalt  }
0x57: {  	_ =	shalt  }
0x58: {  	_ =	shalt  }
0x59: {  	_ =	shalt  }
0x5a: {  	_ =	shalt  }
0x5b: {  	_ =	shalt  }
0x5c: {  	_ =	shalt  }
0x5d: {  	_ =	shalt  }
0x5e: {  	_ =	shalt  }
0x5f: {  	_ =	shalt  }
0x60: {  	_ =	shalt  }
0x61: {  	_ =	shalt  }
0x62: {  	_ =	shalt  }
0x63: {  	_ =	shalt  }
0x64: {  	_ =	shalt  }
0x65: {  	_ =	shalt  }
0x66: {  	_ =	shalt  }
0x67: {  	_ =	shalt  }
0x68: {  	_ =	shalt  }
0x69: {  	_ =	shalt  }
0x6a: {  	_ =	shalt  }
0x6b: {  	_ =	shalt  }
0x6c: {  	_ =	shalt  }
0x6d: {  	_ =	shalt  }
0x6e: {  	_ =	shalt  }
0x6f: {  	_ =	shalt  }
0x70: {  	_ =	shalt  }
0x71: {  	_ =	shalt  }
0x72: {  	_ =	shalt  }
0x73: {  	_ =	shalt  }
0x74: {  	_ =	shalt  }
0x75: {  	_ =	shalt  }
0x76: {  	_ =	shalt  }
0x77: {  	_ =	shalt  }
0x78: {  	_ =	shalt  }
0x79: {  	_ =	shalt  }
0x7a: {  	_ =	shalt  }
0x7b: {  	_ =	shalt  }
0x7c: {  	_ =	shalt  }
0x7d: {  	_ =	shalt  }
0x7e: {  	_ =	shalt  }
0x7f: {  	_ =	shalt  }
0x80: {  	_ =	shalt  }
0x81: {  	_ =	shalt  }
0x82: {  	_ =	shalt  }
0x83: {  	_ =	shalt  }
0x84: {  	_ =	shalt  }
0x85: {  	_ =	shalt  }
0x86: {  	_ =	shalt  }
0x87: {  	_ =	shalt  }
.Lfunc_end0:
.L_simem_size_0:
called_computation_lowered:
.L_overlay_start_0:
0x88: {  	s0 =	sld [smem:$0x3FD9]  }
0x89: {  	s1 =	sld [smem:$0x3FFE];
	_ =	sdelay $0x3  }
0x8a: {  	s0 =	sadd.s32 s1, s0  }
0x8b: {  	[smem:$0x3FC6] =	sst s0  }
0x8c: {  	_ = 	snop  }
0x8d: {  	s0 =	sld [smem:$0x3FC9]  }
0x8e: {  	s16 =	sld [smem:$0x3FD0];
	(tm) =	ssettm $0x1  }
0x8f: {  	s2 =	sld [smem:$0x3FFB];
	_ =	sdelay $0x3  }
0x90: {  	_ =	strace s2  }
0x91: {  	s2 =	sld [smem:$0x3FFC];
	_ =	sdelay $0x3  }
0x92: {  	_ =	strace s2  }
0x93: {  	s2 =	sld [smem:$0x3FFD];
	_ =	sdelay $0x3  }
0x94: {  	_ =	strace s2  }
0x95: {  	_ =	strace $0x8FFFFFFF  }
0x96: {  	s17 =	sld [smem:$0x3FDB];
	_ =	sdelay $0x1  }
0x97: {  	s3 =	simm.s32 $_scs_section_size  }
0x98: {  	s4 =	simm.s32 $_size__tile_overlayer_lowered;
	s5 =	simm.s32 $_tile_overlayer_lowered  }
0x99: {  	s20 =	simm.s32 $0x1BFF;
	s19 =	sshll.u32 s5, $0x1;
	s2 =	sadd.s32 s3, s17  }
0x9a: {  	s6 =	simm.s32 $0x0;
	s18 =	sshll.u32 s4, $0x1;
	s4 =	sadd.s32 s19, s2  }
0x9b: {  	[timem:s6], [sflag:s20] =	dma.local [hbm:s4], s18  }
0x9c: {  	_ =	swait.ge [sflag:s20], s18  }
0x9d: {  	s3 =	ssub.s32 $0x0, s18;
	[sflag:s20] =	ssyncset.done $0x0  }
0x9e: {  	[sflag:s20] =	ssyncadd.s32 s3;
	_ =	sdelay $0x1  }
0x9f: {  	s21 =	simm.s32 $0x1B8B  }
0xa0: {  	_ =	swait.ge [sflag:s21], $0x1  }
0xa1: {  	[sflag:s21] =	ssyncset.done $0x0  }
0xa2: {  	s23 =	simm.s32 $0x1B8E;
	s22 =	sld [smem:$0x3FFE];
	[sflag:s21] =	ssyncadd.s32 $0xFFFFFFFF  }
0xa3: {  	s24 =	simm.s32 $execute0_lowered;
	[smem:$0x3FD2] =	sst s23  }
0xa4: {  	s4 =	sshll.u32 s24, $0x1;
	_ =	strace $0x80000046;
	[dreg:$0x1] =	wrdreg $0xFFFFFFFF  }
0xa5: {  	s25 =	simm.s32 $_size_execute0_lowered;
	s2 =	sadd.s32 s2, s4;
	[dreg:$0x0] =	wrdreg $0x0  }
0xa6: {  	s4 =	sshll.u32 s25, $0x1;
	[dreg:$0x2] =	wrdreg s2  }
0xa7: {  	[dreg:$0x3] =	wrdreg s4  }
0xa8: {  	[dreg:$0x4] =	wrdreg $0xC0  }
0xa9: {  	_ =	task [dreg:s6], $0x5FFFF  }
0xaa: {  	[dreg:$0x1] =	wrdreg $0xFFFFFFFF  }
0xab: {  	[dreg:$0x0] =	wrdreg $0x60  }
0xac: {  	[dreg:$0x2] =	wrdreg s0  }
0xad: {  	[dreg:$0x3] =	wrdreg s22  }
0xae: {  	[dreg:$0x4] =	wrdreg s16  }
0xaf: {  	[dreg:$0x5] =	wrdreg $0x9  }
0xb0: {  	_ =	task.clear_ibuf [dreg:s6], $0x6FFFF;
	_ =	strace $0x90000046  }
0xb1: {  	s26 =	simm.s32 $0x9;
	_ =	strace $0x80000048  }
0xb2: {  	_ =	swait.ge [sflag:s26], $0x1  }
0xb3: {  	[sflag:s26] =	ssyncadd.s32 $0xFFFFFFFF  }
0xb4: {  	_ =	strace $0x90000048  }
0xb5: {  	_ =	sfence  }
0xb6: {  	s28 =	sld [smem:$0x0];
	_ =	sdelay $0x1  }
0xb7: {  	s29 =	srdreg.scid  }
0xb8: {  	s30 =	sshll.u32 s29, $0xD;
	s31 =	sshrl.u32 s29, $0x2  }
0xb9: {  	s1 =	sand.u32 $0x1, s29;
	s2 =	sand.u32 $0x4000, s30;
	s0 =	sadd.s32 s31, s28  }
0xba: {  	s1 =	sor.u32 s2, s1;
	s0 =	sshll.u32 s0, $0x11  }
0xbb: {  	s0 =	sor.u32 s0, s1  }
0xbc: {  	s0 =	sadd.s32 $0x8F2B, s0  }
0xbd: {  	[sflag:s0] =	ssyncadd.remote.s32 $0x1  }
0xbe: {  	_ =	sfence.sel $0xFFFF  }
0xbf: {  	[dreg:$0x0] =	wrdreg $0xFFFFFFFF;
	(pc) =	sbr.abs _section_cstart, $3  }
0xc0: {  	[dreg:$0x1] =	wrdreg $0xFFFFFFFF  }
0xc1: {  	_ =	task.clear_ibuf [dreg:s6], $0x2FFFF;
	_ =	strace $0x9FFFFFFF  }
0xc2: {  	(tm) =	ssettm $0x7FFFFFFF  }
0xc3: {  	_ =	shalt  }
tec
execute0_lowered:
.L_overlay_start_1:
0x0: {  	(tag) =	ssettag $0x1  }
0x1: {  	s4 =	rddreg [dreg:$0x0]  }
0x2: {  	s5 =	rddreg [dreg:$0x1];
	s1 =	stileid.u32  }
0x3: {  	s2 =	rddreg [dreg:$0x2];
	s3 =	simm.s32 $0x0;
	s6 =	sshll.u32 s1, $0x4  }
0x4: {  	[smem:$0x7FF] =	sst s3;
	s5 =	sadd.s32 s6, s5  }
0x5: {  	s0 =	rddreg [dreg:$0x3];
	_ =	strace $0x80000047;
	s6 =	sadd.s32 $0x800, s5  }
0x6: {  	[tilespmem:s3], [sflag:$0x1] =	stream.linear.gather [hbm4b:s6+s3], $0x80, $0x38;
	[tilespmem:$0x4100] =	vst v63  }
0x7: {  	s29 =	simm.s32 $0x80;
	s30 =	simm.s32 $0x1;
	s5 =	sadd.s32 $0x600, s5  }
0x8: {  	[tilespmem:s29], [sflag:$0x1] =	stream.linear.gather [hbm4b:s5+s3], $0x80, $0x38;
	[tilespmem:$0x4100] =	vst v63  }
0x9: {  	_ =	swait.ge [sflag:s30], $0x80  }
0xa: {  	[sflag:s30] =	ssyncset.done $0x0  }
0xb: {  	[sflag:s30] =	ssyncadd.s32 $0xFFFFFF80  }
0xc: {  	_ =	swait.ge [sflag:s30], $0x80  }
0xd: {  	[sflag:s30] =	ssyncset.done $0x0  }
0xe: {  	[sflag:s30] =	ssyncadd.s32 $0xFFFFFF80  }
0xf: {  	v0 =	vld [tilespmem:$0x0];
	_ =	sdelay $0x1  }
0x10: {  	v1 =	vld [tilespmem:$0x80];
	_ =	sdelay $0x2  }
0x11: {  	s7 =	sshll.u32 s1, $0xF;
	v0 =	vshll.u32 v0, $0x7  }
0x12: {  	v0 =	vadd.s32 s7, v0  }
0x13: {  	v0 =	vadd.s32 v1, v0;
	_ =	sdelay $0x3  }
0x14: {  	vm0 =	vmmov $0xffff;
	s31 =	simm.s32 $0x100  }
0x15: {  	[tilespmem:s31], [sflag:$0x2] =	stream.indirect_vreg.gather [hbm4b:s4+s3], $0x80, v0, vm0, $0xb8;
	[tilespmem:$0x4100] =	vst v63  }
0x16: {  	v0 =	vld [tilespmem:$0x10];
	_ =	sdelay $0x1  }
0x17: {  	v57 =	vld [tilespmem:$0x90];
	_ =	sdelay $0x2  }
0x18: {  	v0 =	vshll.u32 v0, $0x7  }
0x19: {  	v0 =	vadd.s32 s7, v0  }
0x1a: {  	v0 =	vadd.s32 v57, v0;
	_ =	sdelay $0x3  }
0x1b: {  	s11 =	simm.s32 $0x900  }
0x1c: {  	[tilespmem:s11], [sflag:$0x3] =	stream.indirect_vreg.gather [hbm4b:s4+s3], $0x80, v0, vm0, $0xb8;
	[tilespmem:$0x4100] =	vst v63  }
0x1d: {  	v0 =	vld [tilespmem:$0x20];
	_ =	sdelay $0x1  }
0x1e: {  	v58 =	vld [tilespmem:$0xA0];
	_ =	sdelay $0x2  }
0x1f: {  	v0 =	vshll.u32 v0, $0x7  }
0x20: {  	v0 =	vadd.s32 s7, v0  }
0x21: {  	v0 =	vadd.s32 v58, v0;
	_ =	sdelay $0x3  }
0x22: {  	s12 =	simm.s32 $0x1100  }
0x23: {  	[tilespmem:s12], [sflag:$0x4] =	stream.indirect_vreg.gather [hbm4b:s4+s3], $0x80, v0, vm0, $0xb8;
	[tilespmem:$0x4100] =	vst v63  }
0x24: {  	v0 =	vld [tilespmem:$0x30];
	_ =	sdelay $0x1  }
0x25: {  	v59 =	vld [tilespmem:$0xB0];
	_ =	sdelay $0x2  }
0x26: {  	v0 =	vshll.u32 v0, $0x7  }
0x27: {  	v0 =	vadd.s32 s7, v0  }
0x28: {  	v0 =	vadd.s32 v59, v0;
	_ =	sdelay $0x3  }
0x29: {  	s8 =	simm.s32 $0x1900  }
0x2a: {  	[tilespmem:s8], [sflag:$0x5] =	stream.indirect_vreg.gather [hbm4b:s4+s3], $0x80, v0, vm0, $0xb8;
	[tilespmem:$0x4100] =	vst v63  }
0x2b: {  	v0 =	vld [tilespmem:$0x40];
	_ =	sdelay $0x1  }
0x2c: {  	v60 =	vld [tilespmem:$0xC0]  }
0x2d: {  	s13 =	sshll.u32 s1, $0x7  }
0x2e: {  	s9 =	sor.u32 $0x40, s13  }
0x2f: {  	s10 =	sshll.u32 s9, $0x8;
	v0 =	vshll.u32 v0, $0x7  }
0x30: {  	v0 =	vadd.s32 s10, v0  }
0x31: {  	v0 =	vadd.s32 v60, v0;
	_ =	sdelay $0x3  }
0x32: {  	s14 =	simm.s32 $0x2100  }
0x33: {  	[tilespmem:s14], [sflag:$0x6] =	stream.indirect_vreg.gather [hbm4b:s4+s3], $0x80, v0, vm0, $0xb8;
	[tilespmem:$0x4100] =	vst v63  }
0x34: {  	v0 =	vld [tilespmem:$0x50];
	_ =	sdelay $0x1  }
0x35: {  	v61 =	vld [tilespmem:$0xD0];
	_ =	sdelay $0x2  }
0x36: {  	s7 =	sor.u32 $0x4000, s7;
	v0 =	vshll.u32 v0, $0x7  }
0x37: {  	v0 =	vadd.s32 s7, v0  }
0x38: {  	v0 =	vadd.s32 v61, v0;
	_ =	sdelay $0x3  }
0x39: {  	s11 =	simm.s32 $0x2900  }
0x3a: {  	[tilespmem:s11], [sflag:$0x7] =	stream.indirect_vreg.gather [hbm4b:s4+s3], $0x80, v0, vm0, $0xb8;
	[tilespmem:$0x4100] =	vst v63  }
0x3b: {  	v0 =	vld [tilespmem:$0x60];
	_ =	sdelay $0x1  }
0x3c: {  	v62 =	vld [tilespmem:$0xE0]  }
0x3d: {  	s8 =	sor.u32 $0x60, s13  }
0x3e: {  	s15 =	sshll.u32 s8, $0x8  }
0x3f: {  	s11 =	sand.u32 $0x7C000, s15;
	v0 =	vshll.u32 v0, $0x7  }
0x40: {  	v0 =	vadd.s32 s11, v0  }
0x41: {  	v0 =	vadd.s32 v62, v0;
	_ =	sdelay $0x3  }
0x42: {  	s16 =	simm.s32 $0x3100  }
0x43: {  	[tilespmem:s16], [sflag:$0x8] =	stream.indirect_vreg.gather [hbm4b:s4+s3], $0x80, v0, vm0, $0xb8;
	[tilespmem:$0x4100] =	vst v63  }
0x44: {  	v0 =	vld [tilespmem:$0x70];
	_ =	sdelay $0x1  }
0x45: {  	v63 =	vld [tilespmem:$0xF0];
	_ =	sdelay $0x2  }
0x46: {  	v0 =	vshll.u32 v0, $0x7  }
0x47: {  	v0 =	vadd.s32 s7, v0  }
0x48: {  	v0 =	vadd.s32 v63, v0;
	_ =	sdelay $0x3  }
0x49: {  	s17 =	simm.s32 $0x3900;
	s18 =	simm.s32 $0x2  }
0x4a: {  	[tilespmem:s17], [sflag:$0x9] =	stream.indirect_vreg.gather [hbm4b:s4+s3], $0x80, v0, vm0, $0xb8;
	[tilespmem:$0x4100] =	vst v63  }
0x4b: {  	_ =	swait.ge [sflag:s18], $0x800  }
0x4c: {  	[sflag:s18] =	ssyncset.done $0x0  }
0x4d: {  	s19 =	simm.s32 $0x3;
	[sflag:s18] =	ssyncadd.s32 $0xFFFFF800  }
0x4e: {  	_ =	swait.ge [sflag:s19], $0x800  }
0x4f: {  	s20 =	sshll.u32 s1, $0xB;
	[sflag:s19] =	ssyncset.done $0x0  }
0x50: {  	s21 =	simm.s32 $0x4;
	s7 =	sadd.s32 s2, s20;
	[sflag:s19] =	ssyncadd.s32 $0xFFFFF800  }
0x51: {  	[hbm4b:s7+s3] =	stream.linear.scatter [tilespmem:s31], [sflag:$0xA], $0x1000, $0x38;
	[tilespmem:$0x4100] =	vst v63  }
0x52: {  	_ =	swait.ge [sflag:s21], $0x800  }
0x53: {  	[sflag:s21] =	ssyncset.done $0x0  }
0x54: {  	s22 =	simm.s32 $0x5;
	[sflag:s21] =	ssyncadd.s32 $0xFFFFF800  }
0x55: {  	_ =	swait.ge [sflag:s22], $0x800  }
0x56: {  	[sflag:s22] =	ssyncset.done $0x0  }
0x57: {  	s24 =	simm.s32 $0x6;
	s23 =	sadd.s32 $0x200, s7;
	[sflag:s22] =	ssyncadd.s32 $0xFFFFF800  }
0x58: {  	[hbm4b:s23+s3] =	stream.linear.scatter [tilespmem:s12], [sflag:$0xA], $0x1000, $0x38;
	[tilespmem:$0x4100] =	vst v63  }
0x59: {  	_ =	swait.ge [sflag:s24], $0x800  }
0x5a: {  	[sflag:s24] =	ssyncset.done $0x0  }
0x5b: {  	s25 =	simm.s32 $0x7;
	[sflag:s24] =	ssyncadd.s32 $0xFFFFF800  }
0x5c: {  	_ =	swait.ge [sflag:s25], $0x800  }
0x5d: {  	s26 =	sshll.u32 s9, $0x4;
	[sflag:s25] =	ssyncset.done $0x0  }
0x5e: {  	s28 =	simm.s32 $0x8;
	s5 =	sadd.s32 s2, s26;
	[sflag:s25] =	ssyncadd.s32 $0xFFFFF800  }
0x5f: {  	[hbm4b:s5+s3] =	stream.linear.scatter [tilespmem:s14], [sflag:$0xA], $0x1000, $0x38;
	[tilespmem:$0x4100] =	vst v63  }
0x60: {  	_ =	swait.ge [sflag:s28], $0x800  }
0x61: {  	[sflag:s28] =	ssyncset.done $0x0  }
0x62: {  	s29 =	simm.s32 $0x9;
	[sflag:s28] =	ssyncadd.s32 $0xFFFFF800  }
0x63: {  	_ =	swait.ge [sflag:s29], $0x800  }
0x64: {  	s30 =	sshll.u32 s8, $0x4;
	[sflag:s29] =	ssyncset.done $0x0  }
0x65: {  	s2 =	sadd.s32 s2, s30;
	s31 =	simm.s32 $0xA;
	[sflag:s29] =	ssyncadd.s32 $0xFFFFF800  }
0x66: {  	[hbm4b:s2+s3] =	stream.linear.scatter [tilespmem:s16], [sflag:$0xA], $0x1000, $0x38;
	[tilespmem:$0x4100] =	vst v63  }
0x67: {  	_ =	swait.ge [sflag:s31], $0x1000  }
0x68: {  	[sflag:s31] =	ssyncset.done $0x0  }
0x69: {  	[sflag:s31] =	ssyncadd.s32 $0xFFFFF000  }
0x6a: {  	_ =	swait.ge [sflag:s31], $0x1000  }
0x6b: {  	[sflag:s31] =	ssyncset.done $0x0  }
0x6c: {  	[sflag:s31] =	ssyncadd.s32 $0xFFFFF000  }
0x6d: {  	_ =	swait.ge [sflag:s31], $0x1000  }
0x6e: {  	[sflag:s31] =	ssyncset.done $0x0  }
0x6f: {  	[sflag:s31] =	ssyncadd.s32 $0xFFFFF000  }
0x70: {  	_ =	swait.ge [sflag:s31], $0x1000  }
0x71: {  	[sflag:s31] =	ssyncset.done $0x0  }
0x72: {  	[sflag:s31] =	ssyncadd.s32 $0xFFFFF000  }
0x73: {  	_ =	sfence.sel $0x180000  }
0x74: {  	[bflag:$0x0] =	sbarrier.arrive $0xFFFF  }
0x75: {  	p0 =	sne.s32 s1, $0x0;
	_ =	strace $0x90000047  }
0x76: {  	s0 =	sadd.s32 @!p0 $0x100000, s0;
	[bflag:$0x2] =	sbarrier.arrive $0xFFFF  }
0x77: {  	[sflag:s0] =	ssyncadd.tile.s32 @!p0 $0x1;
	_ =	shalt  }
.Lfunc_end2:
_tile_overlayer_lowered:
.L_overlay_start_2:
0x78: {  	(tag) =	ssettag $0x2  }
0x79: {  	s0 =	rddreg [dreg:$0x0];
	s2 =	stileid.u32  }
0x7a: {  	s1 =	rddreg [dreg:$0x1];
	p0 =	sne.s32 s2, $0x0  }
0x7b: {  	s3 =	rddreg [dreg:$0x2];
	[bflag:$0x3] =	sbarrier.arrive $0xFFFF;
	s2 =	simm.s32 @!p0 $0x1C0B  }
0x7c: {  	[timem:s3], [sflag:s2] =	dma.local @!p0 [hbm:s0], s1  }
0x7d: {  	s0 =	simm.s32 @!p0 $0xB  }
0x7e: {  	_ =	swait.ge @!p0 [sflag:s0], s1  }
0x7f: {  	s1 =	ssub.s32 @!p0 $0x0, s1;
	[sflag:s0] =	ssyncset.done @!p0 $0x0  }
0x80: {  	[sflag:s0] =	ssyncadd.s32 @!p0 s1  }
0x81: {  	[bflag:$0x3] =	sbarrier.arrive $0xFFFF  }
0x82: {  	_ =	shalt  }

</sc_bundles>
